<compile_context>
chip_gen: v7x
topology: tpu7x:2x2x1
jax: 0.10.2.dev20260603
libtpu: 0.0.44.dev20260713+nightly
codegen_flags: <defaults>
</compile_context>

<pallas_src>
import jax
import jax.numpy as jnp
from jax import lax
from jax.experimental import pallas as pl
from jax.experimental.pallas import tpu as pltpu
from jax.experimental.pallas import tpu_sc as plsc

_BATCH = 16384
_FEAT = 64
_CLASSES = 100000
_NW = 32
_FPW = _FEAT // _NW
_QTR = _BATCH // 4


def _body(embT_hbm, lab_hbm, cenT_hbm, out_hbm,
          row_v, lab_v, emb_v, acc_v, lab_sh, sem, esem):
    cid = lax.axis_index("c")
    sid = lax.axis_index("s")
    w = sid * 2 + cid

    pltpu.async_copy(cenT_hbm.at[w * _FPW], row_v, sem)
    pltpu.async_copy(embT_hbm.at[w * _FPW, pl.ds(0, _QTR)], emb_v.at[0], esem)

    @pl.when(sid == 0)
    def _():
        pltpu.sync_copy(lab_hbm, lab_sh)

    plsc.subcore_barrier()
    pltpu.sync_copy(lab_sh, lab_v)

    zero = jnp.zeros((16,), jnp.float32)
    accs = (zero,) * 8

    def feat_body(k, accs):
        f = w * _FPW + k

        @pl.when(k > 0)
        def _():
            pltpu.async_copy(embT_hbm.at[f, pl.ds(0, _QTR)], emb_v.at[0], esem)
            pltpu.async_copy(cenT_hbm.at[f], row_v, sem)

        pltpu.make_async_copy(cenT_hbm.at[f], row_v, sem).wait()

        def qtr_body(q, accs):
            qmod = lax.rem(q, 2)

            @pl.when(q < 3)
            def _():
                pltpu.async_copy(
                    embT_hbm.at[f, pl.ds((q + 1) * _QTR, _QTR)],
                    emb_v.at[1 - qmod], esem)

            pltpu.make_async_copy(
                embT_hbm.at[f, pl.ds(0, _QTR)], emb_v.at[0], esem).wait()

            @plsc.parallel_loop(0, _QTR, step=128, carry=accs)
            def accs(t, accs):
                out = []
                for u in range(8):
                    idx16 = lab_v[pl.ds(q * _QTR + t + u * 16, 16)]
                    g = plsc.load_gather(row_v, [idx16])
                    e = emb_v[qmod, pl.ds(t + u * 16, 16)]
                    d = e - g
                    out.append(accs[u] + d * d)
                return tuple(out)

            return accs

        return lax.fori_loop(0, 4, qtr_body, accs)

    accs = lax.fori_loop(0, _FPW, feat_body, accs)

    acc = ((accs[0] + accs[1]) + (accs[2] + accs[3])
           + (accs[4] + accs[5]) + (accs[6] + accs[7]))
    acc_v[...] = acc * (1.0 / (2.0 * _BATCH))
    pltpu.sync_copy(acc_v, out_hbm.at[w])


@jax.jit
def _center_loss(embeddings, labels, centers):
    lab = labels.astype(jnp.int32)
    embT = embeddings.T
    cenT = centers.T
    kern = pl.kernel(
        _body,
        out_type=jax.ShapeDtypeStruct((_NW, 16), jnp.float32),
        mesh=plsc.VectorSubcoreMesh(core_axis_name="c", subcore_axis_name="s"),
        scratch_types=[
            pltpu.VMEM((_CLASSES,), jnp.float32),
            pltpu.VMEM((_BATCH,), jnp.int32),
            pltpu.VMEM((2, _QTR), jnp.float32),
            pltpu.VMEM((16,), jnp.float32),
            pltpu.VMEM_SHARED((_BATCH,), jnp.int32),
            pltpu.SemaphoreType.DMA,
            pltpu.SemaphoreType.DMA,
        ],
        compiler_params=pltpu.CompilerParams(needs_layout_passes=False),
    )
    partials = kern(embT, lab, cenT)
    return jnp.sum(partials)


def kernel(embeddings, labels, centers):
    return _center_loss(embeddings, labels, centers)

# --- scband reference (transcript-rebuilt; emitter-appended) ---
"""Pipeline reference for scband-center-loss-4157528342652 (READ-ONLY COPY).

The authoritative reference and input builder live on the scoring server;
editing this copy changes nothing except your own understanding.
"""

import jax, jax.numpy as jnp
import numpy as np

NUM_CLASSES = 100000
FEAT_DIM = 64
BATCH = 16384

def setup_inputs(seed: int = 0) -> dict:
    key = jax.random.key(seed)
    k1, k2, k3 = jax.random.split(key, 3)
    embeddings = jax.random.normal(k1, (BATCH, FEAT_DIM), dtype=jnp.float32)
    labels = jax.random.randint(k2, (BATCH,), 0, NUM_CLASSES, dtype=jnp.int64) if jax.config.jax_enable_x64 else jax.random.randint(k2, (BATCH,), 0, NUM_CLASSES, dtype=jnp.int32)
    centers = jax.random.normal(k3, (NUM_CLASSES, FEAT_DIM), dtype=jnp.float32)
    return {"embeddings": embeddings, "labels": labels, "centers": centers}

def reference(embeddings, labels, centers):
    batch_size = embeddings.shape[0]
    centers_batch = jnp.take(centers, labels, axis=0)
    return jnp.sum((embeddings - centers_batch) ** 2) / (2.0 * batch_size)

if __name__ == "__main__":
    import jax
    _d = setup_inputs()
    print(jax.jit(kernel)(*tuple(_d.values())))

</pallas_src>

<mosaic_0001>
#map = affine_map<(d0, d1) -> (0, 0)>
#map1 = affine_map<(d0, d1) -> (0)>
module attributes {stable_mosaic.version = 14 : i64} {
  func.func @_body(%arg0: i32, %arg1: i32, %arg2: memref<64x16384xf32, #tpu.memory_space<hbm>>, %arg3: memref<16384xi32, #tpu.memory_space<hbm>>, %arg4: memref<64x100000xf32, #tpu.memory_space<hbm>>, %arg5: memref<32x16xf32, #tpu.memory_space<hbm>>, %arg6: memref<100000xf32, #tpu.memory_space<vmem>>, %arg7: memref<16384xi32, #tpu.memory_space<vmem>>, %arg8: memref<2x4096xf32, #tpu.memory_space<vmem>>, %arg9: memref<16xf32, #tpu.memory_space<vmem>>, %arg10: memref<16384xi32, #tpu.memory_space<vmem_shared>>, %arg11: memref<!tpu.dma_semaphore, #tpu.memory_space<semaphore_mem>>, %arg12: memref<!tpu.dma_semaphore, #tpu.memory_space<semaphore_mem>>) attributes {dimension_semantics = [#tpu.dimension_semantics<core_parallel>, #tpu.dimension_semantics<subcore_parallel>], iteration_bounds = array<i64: 2, 16>, scalar_prefetch = 0 : i64, scratch_operands = 7 : i64, tpu.core_type = #tpu.core_type<sc_vector_subcore>, window_params = [{transform_indices = #map}, {transform_indices = #map1}, {transform_indices = #map}, {transform_indices = #map}]} {
    %mul3A = arith.constant 2 : i32
    %mul3A_0 = arith.muli %arg1, %mul3A : i32
    %add3A = arith.addi %mul3A_0, %arg0 : i32
    %mul3A_1 = arith.constant 2 : i32
    %mul3A_2 = arith.muli %add3A, %mul3A_1 : i32
    %dma_start3A = arith.constant 0 : i32
    %dma_start3A_3 = tpu.memref_slice %arg4[%mul3A_2, %dma_start3A] : memref<64x100000xf32, #tpu.memory_space<hbm>> -> memref<1x100000xf32, #tpu.memory_space<hbm>>
    %dma_start3A_4 = tpu.memref_squeeze %dma_start3A_3 : memref<1x100000xf32, #tpu.memory_space<hbm>> -> memref<100000xf32, #tpu.memory_space<hbm>>
    %dma_start3A_5 = arith.constant 0 : i32
    %dma_start3A_6 = tpu.memref_slice %arg4[%mul3A_2, %dma_start3A_5] : memref<64x100000xf32, #tpu.memory_space<hbm>> -> memref<1x100000xf32, #tpu.memory_space<hbm>>
    %dma_start3A_7 = tpu.memref_squeeze %dma_start3A_6 : memref<1x100000xf32, #tpu.memory_space<hbm>> -> memref<100000xf32, #tpu.memory_space<hbm>>
    tpu.enqueue_dma source(%dma_start3A_7 : memref<100000xf32, #tpu.memory_space<hbm>>) target(%arg6 : memref<100000xf32, #tpu.memory_space<vmem>>) target_semaphore(%arg11 : memref<!tpu.dma_semaphore, #tpu.memory_space<semaphore_mem>>)
    %mul3A_8 = arith.constant 2 : i32
    %mul3A_9 = arith.muli %add3A, %mul3A_8 : i32
    %dma_start3A_10 = arith.constant 0 : i32
    %dma_start3A_11 = arith.constant 0 : i32
    %dma_start3A_12 = tpu.memref_slice %arg8[%dma_start3A_10, %dma_start3A_11] : memref<2x4096xf32, #tpu.memory_space<vmem>> -> memref<1x4096xf32, #tpu.memory_space<vmem>>
    %dma_start3A_13 = tpu.memref_squeeze %dma_start3A_12 : memref<1x4096xf32, #tpu.memory_space<vmem>> -> memref<4096xf32, #tpu.memory_space<vmem>>
    %dma_start3A_14 = arith.constant 0 : i32
    %dma_start3A_15 = tpu.memref_slice %arg2[%mul3A_9, %dma_start3A_14] : memref<64x16384xf32, #tpu.memory_space<hbm>> -> memref<1x4096xf32, #tpu.memory_space<hbm>>
    %dma_start3A_16 = tpu.memref_squeeze %dma_start3A_15 : memref<1x4096xf32, #tpu.memory_space<hbm>> -> memref<4096xf32, #tpu.memory_space<hbm>>
    %dma_start3A_17 = arith.constant 0 : i32
    %dma_start3A_18 = tpu.memref_slice %arg8[%dma_start3A_10, %dma_start3A_17] : memref<2x4096xf32, #tpu.memory_space<vmem>> -> memref<1x4096xf32, #tpu.memory_space<vmem>>
    %dma_start3A_19 = tpu.memref_squeeze %dma_start3A_18 : memref<1x4096xf32, #tpu.memory_space<vmem>> -> memref<4096xf32, #tpu.memory_space<vmem>>
    %dma_start3A_20 = arith.constant 0 : i32
    %dma_start3A_21 = tpu.memref_slice %arg2[%mul3A_9, %dma_start3A_20] : memref<64x16384xf32, #tpu.memory_space<hbm>> -> memref<1x4096xf32, #tpu.memory_space<hbm>>
    %dma_start3A_22 = tpu.memref_squeeze %dma_start3A_21 : memref<1x4096xf32, #tpu.memory_space<hbm>> -> memref<4096xf32, #tpu.memory_space<hbm>>
    tpu.enqueue_dma source(%dma_start3A_22 : memref<4096xf32, #tpu.memory_space<hbm>>) target(%dma_start3A_19 : memref<4096xf32, #tpu.memory_space<vmem>>) target_semaphore(%arg12 : memref<!tpu.dma_semaphore, #tpu.memory_space<semaphore_mem>>)
    %eq3A = arith.constant 0 : i32
    %eq3A_23 = arith.cmpi eq, %arg1, %eq3A : i32
    %convert_element_type3A = arith.extui %eq3A_23 : i1 to i32
    %cond3A = arith.constant 0 : i32
    %cond3A_24 = arith.cmpi ne, %convert_element_type3A, %cond3A : i32
    scf.if %cond3A_24 {
      "tpu.region"() ({
        %run_scoped3A = tpu.sem_alloc : memref<!tpu.dma_semaphore, #tpu.memory_space<semaphore_mem>>
        tpu.enqueue_dma source(%arg3 : memref<16384xi32, #tpu.memory_space<hbm>>) target(%arg10 : memref<16384xi32, #tpu.memory_space<vmem_shared>>) target_semaphore(%run_scoped3A : memref<!tpu.dma_semaphore, #tpu.memory_space<semaphore_mem>>)
        tpu.wait_dma2 semaphore(%run_scoped3A : memref<!tpu.dma_semaphore, #tpu.memory_space<semaphore_mem>>) src(%arg3 : memref<16384xi32, #tpu.memory_space<hbm>>) dst(%arg10 : memref<16384xi32, #tpu.memory_space<vmem_shared>>)
        tpu.yield
      }) : () -> ()
    } else {
    }
    %barrier3A = arith.constant 0 : index
    tpu.barrier barrier_id(%barrier3A)
    "tpu.region"() ({
      %run_scoped3A = tpu.sem_alloc : memref<!tpu.dma_semaphore, #tpu.memory_space<semaphore_mem>>
      tpu.enqueue_dma source(%arg10 : memref<16384xi32, #tpu.memory_space<vmem_shared>>) target(%arg7 : memref<16384xi32, #tpu.memory_space<vmem>>) target_semaphore(%run_scoped3A : memref<!tpu.dma_semaphore, #tpu.memory_space<semaphore_mem>>)
      tpu.wait_dma2 semaphore(%run_scoped3A : memref<!tpu.dma_semaphore, #tpu.memory_space<semaphore_mem>>) src(%arg10 : memref<16384xi32, #tpu.memory_space<vmem_shared>>) dst(%arg7 : memref<16384xi32, #tpu.memory_space<vmem>>)
      tpu.yield
    }) : () -> ()
    %broadcast_in_dim3A = arith.constant 0.000000e+00 : f32
    %broadcast_in_dim3A_25 = vector.broadcast %broadcast_in_dim3A : f32 to vector<16xf32>
    %scan3A = arith.constant 0 : i32
    %scan3A_26 = arith.constant 2 : i32
    %scan3A_27 = arith.addi %scan3A, %scan3A_26 : i32
    %scan3A_28 = arith.constant 1 : i32
    %scan3A_29:8 = scf.for %scan3A_42 = %scan3A to %scan3A_27 step %scan3A_28 iter_args(%scan3A_43 = %broadcast_in_dim3A_25, %scan3A_44 = %broadcast_in_dim3A_25, %scan3A_45 = %broadcast_in_dim3A_25, %scan3A_46 = %broadcast_in_dim3A_25, %scan3A_47 = %broadcast_in_dim3A_25, %scan3A_48 = %broadcast_in_dim3A_25, %scan3A_49 = %broadcast_in_dim3A_25, %scan3A_50 = %broadcast_in_dim3A_25) -> (vector<16xf32>, vector<16xf32>, vector<16xf32>, vector<16xf32>, vector<16xf32>, vector<16xf32>, vector<16xf32>, vector<16xf32>)  : i32 {
      %mul3A_51 = arith.constant 2 : i32
      %mul3A_52 = arith.muli %add3A, %mul3A_51 : i32
      %add3A_53 = arith.addi %mul3A_52, %scan3A_42 : i32
      %gt3A = arith.constant 0 : i32
      %gt3A_54 = arith.cmpi sgt, %scan3A_42, %gt3A : i32
      %convert_element_type3A_55 = arith.extui %gt3A_54 : i1 to i32
      %cond3A_56 = arith.constant 0 : i32
      %cond3A_57 = arith.cmpi ne, %convert_element_type3A_55, %cond3A_56 : i32
      scf.if %cond3A_57 {
        %dma_start3A_69 = arith.constant 0 : i32
        %dma_start3A_70 = arith.constant 0 : i32
        %dma_start3A_71 = tpu.memref_slice %arg8[%dma_start3A_69, %dma_start3A_70] : memref<2x4096xf32, #tpu.memory_space<vmem>> -> memref<1x4096xf32, #tpu.memory_space<vmem>>
        %dma_start3A_72 = tpu.memref_squeeze %dma_start3A_71 : memref<1x4096xf32, #tpu.memory_space<vmem>> -> memref<4096xf32, #tpu.memory_space<vmem>>
        %dma_start3A_73 = arith.constant 0 : i32
        %dma_start3A_74 = tpu.memref_slice %arg2[%add3A_53, %dma_start3A_73] : memref<64x16384xf32, #tpu.memory_space<hbm>> -> memref<1x4096xf32, #tpu.memory_space<hbm>>
        %dma_start3A_75 = tpu.memref_squeeze %dma_start3A_74 : memref<1x4096xf32, #tpu.memory_space<hbm>> -> memref<4096xf32, #tpu.memory_space<hbm>>
        %dma_start3A_76 = arith.constant 0 : i32
        %dma_start3A_77 = tpu.memref_slice %arg8[%dma_start3A_69, %dma_start3A_76] : memref<2x4096xf32, #tpu.memory_space<vmem>> -> memref<1x4096xf32, #tpu.memory_space<vmem>>
        %dma_start3A_78 = tpu.memref_squeeze %dma_start3A_77 : memref<1x4096xf32, #tpu.memory_space<vmem>> -> memref<4096xf32, #tpu.memory_space<vmem>>
        %dma_start3A_79 = arith.constant 0 : i32
        %dma_start3A_80 = tpu.memref_slice %arg2[%add3A_53, %dma_start3A_79] : memref<64x16384xf32, #tpu.memory_space<hbm>> -> memref<1x4096xf32, #tpu.memory_space<hbm>>
        %dma_start3A_81 = tpu.memref_squeeze %dma_start3A_80 : memref<1x4096xf32, #tpu.memory_space<hbm>> -> memref<4096xf32, #tpu.memory_space<hbm>>
        tpu.enqueue_dma source(%dma_start3A_81 : memref<4096xf32, #tpu.memory_space<hbm>>) target(%dma_start3A_78 : memref<4096xf32, #tpu.memory_space<vmem>>) target_semaphore(%arg12 : memref<!tpu.dma_semaphore, #tpu.memory_space<semaphore_mem>>)
        %dma_start3A_82 = arith.constant 0 : i32
        %dma_start3A_83 = tpu.memref_slice %arg4[%add3A_53, %dma_start3A_82] : memref<64x100000xf32, #tpu.memory_space<hbm>> -> memref<1x100000xf32, #tpu.memory_space<hbm>>
        %dma_start3A_84 = tpu.memref_squeeze %dma_start3A_83 : memref<1x100000xf32, #tpu.memory_space<hbm>> -> memref<100000xf32, #tpu.memory_space<hbm>>
        %dma_start3A_85 = arith.constant 0 : i32
        %dma_start3A_86 = tpu.memref_slice %arg4[%add3A_53, %dma_start3A_85] : memref<64x100000xf32, #tpu.memory_space<hbm>> -> memref<1x100000xf32, #tpu.memory_space<hbm>>
        %dma_start3A_87 = tpu.memref_squeeze %dma_start3A_86 : memref<1x100000xf32, #tpu.memory_space<hbm>> -> memref<100000xf32, #tpu.memory_space<hbm>>
        tpu.enqueue_dma source(%dma_start3A_87 : memref<100000xf32, #tpu.memory_space<hbm>>) target(%arg6 : memref<100000xf32, #tpu.memory_space<vmem>>) target_semaphore(%arg11 : memref<!tpu.dma_semaphore, #tpu.memory_space<semaphore_mem>>)
      } else {
      }
      %dma_wait3A = arith.constant 0 : i32
      %dma_wait3A_58 = tpu.memref_slice %arg4[%add3A_53, %dma_wait3A] : memref<64x100000xf32, #tpu.memory_space<hbm>> -> memref<1x100000xf32, #tpu.memory_space<hbm>>
      %dma_wait3A_59 = tpu.memref_squeeze %dma_wait3A_58 : memref<1x100000xf32, #tpu.memory_space<hbm>> -> memref<100000xf32, #tpu.memory_space<hbm>>
      %dma_wait3A_60 = arith.constant 0 : i32
      %dma_wait3A_61 = tpu.memref_slice %arg4[%add3A_53, %dma_wait3A_60] : memref<64x100000xf32, #tpu.memory_space<hbm>> -> memref<1x100000xf32, #tpu.memory_space<hbm>>
      %dma_wait3A_62 = tpu.memref_squeeze %dma_wait3A_61 : memref<1x100000xf32, #tpu.memory_space<hbm>> -> memref<100000xf32, #tpu.memory_space<hbm>>
      tpu.wait_dma2 semaphore(%arg11 : memref<!tpu.dma_semaphore, #tpu.memory_space<semaphore_mem>>) src(%dma_wait3A_62 : memref<100000xf32, #tpu.memory_space<hbm>>) dst(%arg6 : memref<100000xf32, #tpu.memory_space<vmem>>)
      %scan3A_63 = arith.constant 0 : i32
      %scan3A_64 = arith.constant 4 : i32
      %scan3A_65 = arith.addi %scan3A_63, %scan3A_64 : i32
      %scan3A_66 = arith.constant 1 : i32
      %scan3A_67:8 = scf.for %scan3A_69 = %scan3A_63 to %scan3A_65 step %scan3A_66 iter_args(%scan3A_70 = %scan3A_43, %scan3A_71 = %scan3A_44, %scan3A_72 = %scan3A_45, %scan3A_73 = %scan3A_46, %scan3A_74 = %scan3A_47, %scan3A_75 = %scan3A_48, %scan3A_76 = %scan3A_49, %scan3A_77 = %scan3A_50) -> (vector<16xf32>, vector<16xf32>, vector<16xf32>, vector<16xf32>, vector<16xf32>, vector<16xf32>, vector<16xf32>, vector<16xf32>)  : i32 {
        %rem3A = arith.constant 2 : i32
        %rem3A_78 = arith.remsi %scan3A_69, %rem3A : i32
        %lt3A = arith.constant 3 : i32
        %lt3A_79 = arith.cmpi slt, %scan3A_69, %lt3A : i32
        %convert_element_type3A_80 = arith.extui %lt3A_79 : i1 to i32
        %cond3A_81 = arith.constant 0 : i32
        %cond3A_82 = arith.cmpi ne, %convert_element_type3A_80, %cond3A_81 : i32
        scf.if %cond3A_82 {
          %add3A_99 = arith.constant 1 : i32
          %add3A_100 = arith.addi %scan3A_69, %add3A_99 : i32
          %mul3A_101 = arith.constant 4096 : i32
          %mul3A_102 = arith.muli %add3A_100, %mul3A_101 : i32
          %sub3A = arith.constant 1 : i32
          %sub3A_103 = arith.subi %sub3A, %rem3A_78 : i32
          %dma_start3A_104 = arith.constant 0 : i32
          %dma_start3A_105 = tpu.memref_slice %arg8[%sub3A_103, %dma_start3A_104] : memref<2x4096xf32, #tpu.memory_space<vmem>> -> memref<1x4096xf32, #tpu.memory_space<vmem>>
          %dma_start3A_106 = tpu.memref_squeeze %dma_start3A_105 : memref<1x4096xf32, #tpu.memory_space<vmem>> -> memref<4096xf32, #tpu.memory_space<vmem>>
          %dma_start3A_107 = tpu.memref_slice %arg2[%add3A_53, %mul3A_102] : memref<64x16384xf32, #tpu.memory_space<hbm>> -> memref<1x4096xf32, #tpu.memory_space<hbm>>
          %dma_start3A_108 = tpu.memref_squeeze %dma_start3A_107 : memref<1x4096xf32, #tpu.memory_space<hbm>> -> memref<4096xf32, #tpu.memory_space<hbm>>
          %dma_start3A_109 = arith.constant 0 : i32
          %dma_start3A_110 = tpu.memref_slice %arg8[%sub3A_103, %dma_start3A_109] : memref<2x4096xf32, #tpu.memory_space<vmem>> -> memref<1x4096xf32, #tpu.memory_space<vmem>>
          %dma_start3A_111 = tpu.memref_squeeze %dma_start3A_110 : memref<1x4096xf32, #tpu.memory_space<vmem>> -> memref<4096xf32, #tpu.memory_space<vmem>>
          %dma_start3A_112 = tpu.memref_slice %arg2[%add3A_53, %mul3A_102] : memref<64x16384xf32, #tpu.memory_space<hbm>> -> memref<1x4096xf32, #tpu.memory_space<hbm>>
          %dma_start3A_113 = tpu.memref_squeeze %dma_start3A_112 : memref<1x4096xf32, #tpu.memory_space<hbm>> -> memref<4096xf32, #tpu.memory_space<hbm>>
          tpu.enqueue_dma source(%dma_start3A_113 : memref<4096xf32, #tpu.memory_space<hbm>>) target(%dma_start3A_111 : memref<4096xf32, #tpu.memory_space<vmem>>) target_semaphore(%arg12 : memref<!tpu.dma_semaphore, #tpu.memory_space<semaphore_mem>>)
        } else {
        }
        %dma_wait3A_83 = arith.constant 0 : i32
        %dma_wait3A_84 = arith.constant 0 : i32
        %dma_wait3A_85 = tpu.memref_slice %arg8[%dma_wait3A_83, %dma_wait3A_84] : memref<2x4096xf32, #tpu.memory_space<vmem>> -> memref<1x4096xf32, #tpu.memory_space<vmem>>
        %dma_wait3A_86 = tpu.memref_squeeze %dma_wait3A_85 : memref<1x4096xf32, #tpu.memory_space<vmem>> -> memref<4096xf32, #tpu.memory_space<vmem>>
        %dma_wait3A_87 = arith.constant 0 : i32
        %dma_wait3A_88 = tpu.memref_slice %arg2[%add3A_53, %dma_wait3A_87] : memref<64x16384xf32, #tpu.memory_space<hbm>> -> memref<1x4096xf32, #tpu.memory_space<hbm>>
        %dma_wait3A_89 = tpu.memref_squeeze %dma_wait3A_88 : memref<1x4096xf32, #tpu.memory_space<hbm>> -> memref<4096xf32, #tpu.memory_space<hbm>>
        %dma_wait3A_90 = arith.constant 0 : i32
        %dma_wait3A_91 = tpu.memref_slice %arg8[%dma_wait3A_83, %dma_wait3A_90] : memref<2x4096xf32, #tpu.memory_space<vmem>> -> memref<1x4096xf32, #tpu.memory_space<vmem>>
        %dma_wait3A_92 = tpu.memref_squeeze %dma_wait3A_91 : memref<1x4096xf32, #tpu.memory_space<vmem>> -> memref<4096xf32, #tpu.memory_space<vmem>>
        %dma_wait3A_93 = arith.constant 0 : i32
        %dma_wait3A_94 = tpu.memref_slice %arg2[%add3A_53, %dma_wait3A_93] : memref<64x16384xf32, #tpu.memory_space<hbm>> -> memref<1x4096xf32, #tpu.memory_space<hbm>>
        %dma_wait3A_95 = tpu.memref_squeeze %dma_wait3A_94 : memref<1x4096xf32, #tpu.memory_space<hbm>> -> memref<4096xf32, #tpu.memory_space<hbm>>
        tpu.wait_dma2 semaphore(%arg12 : memref<!tpu.dma_semaphore, #tpu.memory_space<semaphore_mem>>) src(%dma_wait3A_95 : memref<4096xf32, #tpu.memory_space<hbm>>) dst(%dma_wait3A_92 : memref<4096xf32, #tpu.memory_space<vmem>>)
        %parallel_loop3A = arith.constant 0 : i32
        %parallel_loop3A_96 = arith.constant 4096 : i32
        %parallel_loop3A_97 = arith.constant 128 : i32
        %parallel_loop3A_98:8 = scf.for %parallel_loop3A_99 = %parallel_loop3A to %parallel_loop3A_96 step %parallel_loop3A_97 iter_args(%parallel_loop3A_100 = %scan3A_70, %parallel_loop3A_101 = %scan3A_71, %parallel_loop3A_102 = %scan3A_72, %parallel_loop3A_103 = %scan3A_73, %parallel_loop3A_104 = %scan3A_74, %parallel_loop3A_105 = %scan3A_75, %parallel_loop3A_106 = %scan3A_76, %parallel_loop3A_107 = %scan3A_77) -> (vector<16xf32>, vector<16xf32>, vector<16xf32>, vector<16xf32>, vector<16xf32>, vector<16xf32>, vector<16xf32>, vector<16xf32>)  : i32 {
          %parallel_loop3A_108 = arith.constant 4096 : i32
          %parallel_loop3A_109 = arith.muli %scan3A_69, %parallel_loop3A_108 : i32
          %parallel_loop3A_110 = arith.addi %parallel_loop3A_109, %parallel_loop3A_99 : i32
          %parallel_loop3A_111 = arith.constant 0 : i32
          %parallel_loop3A_112 = arith.addi %parallel_loop3A_110, %parallel_loop3A_111 : i32
          %parallel_loop3A_113 = arith.index_cast %parallel_loop3A_112 : i32 to index
          %parallel_loop3A_114 = tpu.vector_load %arg7[%parallel_loop3A_113] {strides = array<i32>} : memref<16384xi32, #tpu.memory_space<vmem>>, vector<16xi32>,
          %parallel_loop3A_115 = tpu.vector_load_idx %arg6[%parallel_loop3A_114] : memref<100000xf32, #tpu.memory_space<vmem>>[vector<16xi32>], vector<16xf32>,
          %parallel_loop3A_116 = arith.constant 0 : i32
          %parallel_loop3A_117 = arith.addi %parallel_loop3A_99, %parallel_loop3A_116 : i32
          %parallel_loop3A_118 = arith.index_cast %rem3A_78 : i32 to index
          %parallel_loop3A_119 = arith.index_cast %parallel_loop3A_117 : i32 to index
          %parallel_loop3A_120 = tpu.vector_load %arg8[%parallel_loop3A_118, %parallel_loop3A_119] {strides = array<i32>} : memref<2x4096xf32, #tpu.memory_space<vmem>>, vector<16xf32>,
          %parallel_loop3A_121 = arith.subf %parallel_loop3A_120, %parallel_loop3A_115 : vector<16xf32>
          %parallel_loop3A_122 = arith.mulf %parallel_loop3A_121, %parallel_loop3A_121 : vector<16xf32>
          %parallel_loop3A_123 = arith.addf %parallel_loop3A_100, %parallel_loop3A_122 : vector<16xf32>
          %parallel_loop3A_124 = arith.constant 4096 : i32
          %parallel_loop3A_125 = arith.muli %scan3A_69, %parallel_loop3A_124 : i32
          %parallel_loop3A_126 = arith.addi %parallel_loop3A_125, %parallel_loop3A_99 : i32
          %parallel_loop3A_127 = arith.constant 16 : i32
          %parallel_loop3A_128 = arith.addi %parallel_loop3A_126, %parallel_loop3A_127 : i32
          %parallel_loop3A_129 = arith.index_cast %parallel_loop3A_128 : i32 to index
          %parallel_loop3A_130 = tpu.vector_load %arg7[%parallel_loop3A_129] {strides = array<i32>} : memref<16384xi32, #tpu.memory_space<vmem>>, vector<16xi32>,
          %parallel_loop3A_131 = tpu.vector_load_idx %arg6[%parallel_loop3A_130] : memref<100000xf32, #tpu.memory_space<vmem>>[vector<16xi32>], vector<16xf32>,
          %parallel_loop3A_132 = arith.constant 16 : i32
          %parallel_loop3A_133 = arith.addi %parallel_loop3A_99, %parallel_loop3A_132 : i32
          %parallel_loop3A_134 = arith.index_cast %rem3A_78 : i32 to index
          %parallel_loop3A_135 = arith.index_cast %parallel_loop3A_133 : i32 to index
          %parallel_loop3A_136 = tpu.vector_load %arg8[%parallel_loop3A_134, %parallel_loop3A_135] {strides = array<i32>} : memref<2x4096xf32, #tpu.memory_space<vmem>>, vector<16xf32>,
          %parallel_loop3A_137 = arith.subf %parallel_loop3A_136, %parallel_loop3A_131 : vector<16xf32>
          %parallel_loop3A_138 = arith.mulf %parallel_loop3A_137, %parallel_loop3A_137 : vector<16xf32>
          %parallel_loop3A_139 = arith.addf %parallel_loop3A_101, %parallel_loop3A_138 : vector<16xf32>
          %parallel_loop3A_140 = arith.constant 4096 : i32
          %parallel_loop3A_141 = arith.muli %scan3A_69, %parallel_loop3A_140 : i32
          %parallel_loop3A_142 = arith.addi %parallel_loop3A_141, %parallel_loop3A_99 : i32
          %parallel_loop3A_143 = arith.constant 32 : i32
          %parallel_loop3A_144 = arith.addi %parallel_loop3A_142, %parallel_loop3A_143 : i32
          %parallel_loop3A_145 = arith.index_cast %parallel_loop3A_144 : i32 to index
          %parallel_loop3A_146 = tpu.vector_load %arg7[%parallel_loop3A_145] {strides = array<i32>} : memref<16384xi32, #tpu.memory_space<vmem>>, vector<16xi32>,
          %parallel_loop3A_147 = tpu.vector_load_idx %arg6[%parallel_loop3A_146] : memref<100000xf32, #tpu.memory_space<vmem>>[vector<16xi32>], vector<16xf32>,
          %parallel_loop3A_148 = arith.constant 32 : i32
          %parallel_loop3A_149 = arith.addi %parallel_loop3A_99, %parallel_loop3A_148 : i32
          %parallel_loop3A_150 = arith.index_cast %rem3A_78 : i32 to index
          %parallel_loop3A_151 = arith.index_cast %parallel_loop3A_149 : i32 to index
          %parallel_loop3A_152 = tpu.vector_load %arg8[%parallel_loop3A_150, %parallel_loop3A_151] {strides = array<i32>} : memref<2x4096xf32, #tpu.memory_space<vmem>>, vector<16xf32>,
          %parallel_loop3A_153 = arith.subf %parallel_loop3A_152, %parallel_loop3A_147 : vector<16xf32>
          %parallel_loop3A_154 = arith.mulf %parallel_loop3A_153, %parallel_loop3A_153 : vector<16xf32>
          %parallel_loop3A_155 = arith.addf %parallel_loop3A_102, %parallel_loop3A_154 : vector<16xf32>
          %parallel_loop3A_156 = arith.constant 4096 : i32
          %parallel_loop3A_157 = arith.muli %scan3A_69, %parallel_loop3A_156 : i32
          %parallel_loop3A_158 = arith.addi %parallel_loop3A_157, %parallel_loop3A_99 : i32
          %parallel_loop3A_159 = arith.constant 48 : i32
          %parallel_loop3A_160 = arith.addi %parallel_loop3A_158, %parallel_loop3A_159 : i32
          %parallel_loop3A_161 = arith.index_cast %parallel_loop3A_160 : i32 to index
          %parallel_loop3A_162 = tpu.vector_load %arg7[%parallel_loop3A_161] {strides = array<i32>} : memref<16384xi32, #tpu.memory_space<vmem>>, vector<16xi32>,
          %parallel_loop3A_163 = tpu.vector_load_idx %arg6[%parallel_loop3A_162] : memref<100000xf32, #tpu.memory_space<vmem>>[vector<16xi32>], vector<16xf32>,
          %parallel_loop3A_164 = arith.constant 48 : i32
          %parallel_loop3A_165 = arith.addi %parallel_loop3A_99, %parallel_loop3A_164 : i32
          %parallel_loop3A_166 = arith.index_cast %rem3A_78 : i32 to index
          %parallel_loop3A_167 = arith.index_cast %parallel_loop3A_165 : i32 to index
          %parallel_loop3A_168 = tpu.vector_load %arg8[%parallel_loop3A_166, %parallel_loop3A_167] {strides = array<i32>} : memref<2x4096xf32, #tpu.memory_space<vmem>>, vector<16xf32>,
          %parallel_loop3A_169 = arith.subf %parallel_loop3A_168, %parallel_loop3A_163 : vector<16xf32>
          %parallel_loop3A_170 = arith.mulf %parallel_loop3A_169, %parallel_loop3A_169 : vector<16xf32>
          %parallel_loop3A_171 = arith.addf %parallel_loop3A_103, %parallel_loop3A_170 : vector<16xf32>
          %parallel_loop3A_172 = arith.constant 4096 : i32
          %parallel_loop3A_173 = arith.muli %scan3A_69, %parallel_loop3A_172 : i32
          %parallel_loop3A_174 = arith.addi %parallel_loop3A_173, %parallel_loop3A_99 : i32
          %parallel_loop3A_175 = arith.constant 64 : i32
          %parallel_loop3A_176 = arith.addi %parallel_loop3A_174, %parallel_loop3A_175 : i32
          %parallel_loop3A_177 = arith.index_cast %parallel_loop3A_176 : i32 to index
          %parallel_loop3A_178 = tpu.vector_load %arg7[%parallel_loop3A_177] {strides = array<i32>} : memref<16384xi32, #tpu.memory_space<vmem>>, vector<16xi32>,
          %parallel_loop3A_179 = tpu.vector_load_idx %arg6[%parallel_loop3A_178] : memref<100000xf32, #tpu.memory_space<vmem>>[vector<16xi32>], vector<16xf32>,
          %parallel_loop3A_180 = arith.constant 64 : i32
          %parallel_loop3A_181 = arith.addi %parallel_loop3A_99, %parallel_loop3A_180 : i32
          %parallel_loop3A_182 = arith.index_cast %rem3A_78 : i32 to index
          %parallel_loop3A_183 = arith.index_cast %parallel_loop3A_181 : i32 to index
          %parallel_loop3A_184 = tpu.vector_load %arg8[%parallel_loop3A_182, %parallel_loop3A_183] {strides = array<i32>} : memref<2x4096xf32, #tpu.memory_space<vmem>>, vector<16xf32>,
          %parallel_loop3A_185 = arith.subf %parallel_loop3A_184, %parallel_loop3A_179 : vector<16xf32>
          %parallel_loop3A_186 = arith.mulf %parallel_loop3A_185, %parallel_loop3A_185 : vector<16xf32>
          %parallel_loop3A_187 = arith.addf %parallel_loop3A_104, %parallel_loop3A_186 : vector<16xf32>
          %parallel_loop3A_188 = arith.constant 4096 : i32
          %parallel_loop3A_189 = arith.muli %scan3A_69, %parallel_loop3A_188 : i32
          %parallel_loop3A_190 = arith.addi %parallel_loop3A_189, %parallel_loop3A_99 : i32
          %parallel_loop3A_191 = arith.constant 80 : i32
          %parallel_loop3A_192 = arith.addi %parallel_loop3A_190, %parallel_loop3A_191 : i32
          %parallel_loop3A_193 = arith.index_cast %parallel_loop3A_192 : i32 to index
          %parallel_loop3A_194 = tpu.vector_load %arg7[%parallel_loop3A_193] {strides = array<i32>} : memref<16384xi32, #tpu.memory_space<vmem>>, vector<16xi32>,
          %parallel_loop3A_195 = tpu.vector_load_idx %arg6[%parallel_loop3A_194] : memref<100000xf32, #tpu.memory_space<vmem>>[vector<16xi32>], vector<16xf32>,
          %parallel_loop3A_196 = arith.constant 80 : i32
          %parallel_loop3A_197 = arith.addi %parallel_loop3A_99, %parallel_loop3A_196 : i32
          %parallel_loop3A_198 = arith.index_cast %rem3A_78 : i32 to index
          %parallel_loop3A_199 = arith.index_cast %parallel_loop3A_197 : i32 to index
          %parallel_loop3A_200 = tpu.vector_load %arg8[%parallel_loop3A_198, %parallel_loop3A_199] {strides = array<i32>} : memref<2x4096xf32, #tpu.memory_space<vmem>>, vector<16xf32>,
          %parallel_loop3A_201 = arith.subf %parallel_loop3A_200, %parallel_loop3A_195 : vector<16xf32>
          %parallel_loop3A_202 = arith.mulf %parallel_loop3A_201, %parallel_loop3A_201 : vector<16xf32>
          %parallel_loop3A_203 = arith.addf %parallel_loop3A_105, %parallel_loop3A_202 : vector<16xf32>
          %parallel_loop3A_204 = arith.constant 4096 : i32
          %parallel_loop3A_205 = arith.muli %scan3A_69, %parallel_loop3A_204 : i32
          %parallel_loop3A_206 = arith.addi %parallel_loop3A_205, %parallel_loop3A_99 : i32
          %parallel_loop3A_207 = arith.constant 96 : i32
          %parallel_loop3A_208 = arith.addi %parallel_loop3A_206, %parallel_loop3A_207 : i32
          %parallel_loop3A_209 = arith.index_cast %parallel_loop3A_208 : i32 to index
          %parallel_loop3A_210 = tpu.vector_load %arg7[%parallel_loop3A_209] {strides = array<i32>} : memref<16384xi32, #tpu.memory_space<vmem>>, vector<16xi32>,
          %parallel_loop3A_211 = tpu.vector_load_idx %arg6[%parallel_loop3A_210] : memref<100000xf32, #tpu.memory_space<vmem>>[vector<16xi32>], vector<16xf32>,
          %parallel_loop3A_212 = arith.constant 96 : i32
          %parallel_loop3A_213 = arith.addi %parallel_loop3A_99, %parallel_loop3A_212 : i32
          %parallel_loop3A_214 = arith.index_cast %rem3A_78 : i32 to index
          %parallel_loop3A_215 = arith.index_cast %parallel_loop3A_213 : i32 to index
          %parallel_loop3A_216 = tpu.vector_load %arg8[%parallel_loop3A_214, %parallel_loop3A_215] {strides = array<i32>} : memref<2x4096xf32, #tpu.memory_space<vmem>>, vector<16xf32>,
          %parallel_loop3A_217 = arith.subf %parallel_loop3A_216, %parallel_loop3A_211 : vector<16xf32>
          %parallel_loop3A_218 = arith.mulf %parallel_loop3A_217, %parallel_loop3A_217 : vector<16xf32>
          %parallel_loop3A_219 = arith.addf %parallel_loop3A_106, %parallel_loop3A_218 : vector<16xf32>
          %parallel_loop3A_220 = arith.constant 4096 : i32
          %parallel_loop3A_221 = arith.muli %scan3A_69, %parallel_loop3A_220 : i32
          %parallel_loop3A_222 = arith.addi %parallel_loop3A_221, %parallel_loop3A_99 : i32
          %parallel_loop3A_223 = arith.constant 112 : i32
          %parallel_loop3A_224 = arith.addi %parallel_loop3A_222, %parallel_loop3A_223 : i32
          %parallel_loop3A_225 = arith.index_cast %parallel_loop3A_224 : i32 to index
          %parallel_loop3A_226 = tpu.vector_load %arg7[%parallel_loop3A_225] {strides = array<i32>} : memref<16384xi32, #tpu.memory_space<vmem>>, vector<16xi32>,
          %parallel_loop3A_227 = tpu.vector_load_idx %arg6[%parallel_loop3A_226] : memref<100000xf32, #tpu.memory_space<vmem>>[vector<16xi32>], vector<16xf32>,
          %parallel_loop3A_228 = arith.constant 112 : i32
          %parallel_loop3A_229 = arith.addi %parallel_loop3A_99, %parallel_loop3A_228 : i32
          %parallel_loop3A_230 = arith.index_cast %rem3A_78 : i32 to index
          %parallel_loop3A_231 = arith.index_cast %parallel_loop3A_229 : i32 to index
          %parallel_loop3A_232 = tpu.vector_load %arg8[%parallel_loop3A_230, %parallel_loop3A_231] {strides = array<i32>} : memref<2x4096xf32, #tpu.memory_space<vmem>>, vector<16xf32>,
          %parallel_loop3A_233 = arith.subf %parallel_loop3A_232, %parallel_loop3A_227 : vector<16xf32>
          %parallel_loop3A_234 = arith.mulf %parallel_loop3A_233, %parallel_loop3A_233 : vector<16xf32>
          %parallel_loop3A_235 = arith.addf %parallel_loop3A_107, %parallel_loop3A_234 : vector<16xf32>
          scf.yield %parallel_loop3A_123, %parallel_loop3A_139, %parallel_loop3A_155, %parallel_loop3A_171, %parallel_loop3A_187, %parallel_loop3A_203, %parallel_loop3A_219, %parallel_loop3A_235 : vector<16xf32>, vector<16xf32>, vector<16xf32>, vector<16xf32>, vector<16xf32>, vector<16xf32>, vector<16xf32>, vector<16xf32>
        } {sc.loop_unroll_factor = 1 : i64, sc.parallel_access}
        scf.yield %parallel_loop3A_98#0, %parallel_loop3A_98#1, %parallel_loop3A_98#2, %parallel_loop3A_98#3, %parallel_loop3A_98#4, %parallel_loop3A_98#5, %parallel_loop3A_98#6, %parallel_loop3A_98#7 : vector<16xf32>, vector<16xf32>, vector<16xf32>, vector<16xf32>, vector<16xf32>, vector<16xf32>, vector<16xf32>, vector<16xf32>
      }
      %scan3A_68 = arith.constant 4 : i32
      scf.yield %scan3A_67#0, %scan3A_67#1, %scan3A_67#2, %scan3A_67#3, %scan3A_67#4, %scan3A_67#5, %scan3A_67#6, %scan3A_67#7 : vector<16xf32>, vector<16xf32>, vector<16xf32>, vector<16xf32>, vector<16xf32>, vector<16xf32>, vector<16xf32>, vector<16xf32>
    }
    %scan3A_30 = arith.constant 2 : i32
    %add3A_31 = arith.addf %scan3A_29#0, %scan3A_29#1 : vector<16xf32>
    %add3A_32 = arith.addf %scan3A_29#2, %scan3A_29#3 : vector<16xf32>
    %add3A_33 = arith.addf %add3A_31, %add3A_32 : vector<16xf32>
    %add3A_34 = arith.addf %scan3A_29#4, %scan3A_29#5 : vector<16xf32>
    %add3A_35 = arith.addf %add3A_33, %add3A_34 : vector<16xf32>
    %add3A_36 = arith.addf %scan3A_29#6, %scan3A_29#7 : vector<16xf32>
    %add3A_37 = arith.addf %add3A_35, %add3A_36 : vector<16xf32>
    %mul3A_38 = arith.constant 3.05175781E-5 : f32
    %mul3A_39 = vector.broadcast %mul3A_38 : f32 to vector<16xf32>
    %mul3A_40 = arith.mulf %add3A_37, %mul3A_39 : vector<16xf32>
    %swap3A = arith.constant 0 : index
    %swap3A_41 = tpu.vector_load %arg9[%swap3A] {strides = array<i32>} : memref<16xf32, #tpu.memory_space<vmem>>, vector<16xf32>,
    tpu.vector_store %arg9[%swap3A], %mul3A_40 {strides = array<i32>} : memref<16xf32, #tpu.memory_space<vmem>>, vector<16xf32>,
    "tpu.region"() ({
      %run_scoped3A = tpu.sem_alloc : memref<!tpu.dma_semaphore, #tpu.memory_space<semaphore_mem>>
      %dma_start3A_42 = arith.constant 0 : i32
      %dma_start3A_43 = tpu.memref_slice %arg5[%add3A, %dma_start3A_42] : memref<32x16xf32, #tpu.memory_space<hbm>> -> memref<1x16xf32, #tpu.memory_space<hbm>>
      %dma_start3A_44 = tpu.memref_squeeze %dma_start3A_43 : memref<1x16xf32, #tpu.memory_space<hbm>> -> memref<16xf32, #tpu.memory_space<hbm>>
      %dma_start3A_45 = arith.constant 0 : i32
      %dma_start3A_46 = tpu.memref_slice %arg5[%add3A, %dma_start3A_45] : memref<32x16xf32, #tpu.memory_space<hbm>> -> memref<1x16xf32, #tpu.memory_space<hbm>>
      %dma_start3A_47 = tpu.memref_squeeze %dma_start3A_46 : memref<1x16xf32, #tpu.memory_space<hbm>> -> memref<16xf32, #tpu.memory_space<hbm>>
      tpu.enqueue_dma source(%arg9 : memref<16xf32, #tpu.memory_space<vmem>>) target(%dma_start3A_47 : memref<16xf32, #tpu.memory_space<hbm>>) target_semaphore(%run_scoped3A : memref<!tpu.dma_semaphore, #tpu.memory_space<semaphore_mem>>)
      %dma_wait3A = arith.constant 0 : i32
      %dma_wait3A_48 = tpu.memref_slice %arg5[%add3A, %dma_wait3A] : memref<32x16xf32, #tpu.memory_space<hbm>> -> memref<1x16xf32, #tpu.memory_space<hbm>>
      %dma_wait3A_49 = tpu.memref_squeeze %dma_wait3A_48 : memref<1x16xf32, #tpu.memory_space<hbm>> -> memref<16xf32, #tpu.memory_space<hbm>>
      %dma_wait3A_50 = arith.constant 0 : i32
      %dma_wait3A_51 = tpu.memref_slice %arg5[%add3A, %dma_wait3A_50] : memref<32x16xf32, #tpu.memory_space<hbm>> -> memref<1x16xf32, #tpu.memory_space<hbm>>
      %dma_wait3A_52 = tpu.memref_squeeze %dma_wait3A_51 : memref<1x16xf32, #tpu.memory_space<hbm>> -> memref<16xf32, #tpu.memory_space<hbm>>
      tpu.wait_dma2 semaphore(%run_scoped3A : memref<!tpu.dma_semaphore, #tpu.memory_space<semaphore_mem>>) src(%arg9 : memref<16xf32, #tpu.memory_space<vmem>>) dst(%dma_wait3A_52 : memref<16xf32, #tpu.memory_space<hbm>>)
      tpu.yield
    }) : () -> ()
    return
  }
}

</mosaic_0001>

<sc_bundles>
// kernel: _center_loss.3.cloned.1.call-start
scs
__scs_entry_jumppad:
0x0: {  	(pc) =	sbr.rel $0x88, $3  }
0x1: {  	(tag) =	ssettag $0x0;
	lr =	simm.s32 $0x1  }
0x2: {  	[smem:$0x3F9E] =	sst lr;
	_ =	strace $0xD0000000  }
0x3: {  	_ = 	snop  }
0x4: {  	_ = 	snop  }
0x5: {  	_ = 	snop  }
0x6: {  	_ = 	snop  }
0x7: {  	_ = 	snop  }
__scs_overlays_trampoline_lowered:
0x8: {  	[smem:$0x3FAD] =	sst s0  }
0x9: {  	[smem:$0x3FAE] =	sst s1  }
0xa: {  	[smem:$0x3FAF] =	sst s2  }
0xb: {  	[smem:$0x3FB0] =	sst s3  }
0xc: {  	[smem:$0x3FB1] =	sst s4  }
0xd: {  	[smem:$0x3FB2] =	sst s5  }
0xe: {  	[smem:$0x3FB3] =	sst s6  }
0xf: {  	[smem:$0x3FB4] =	sst s7  }
0x10: {  	[smem:$0x3FB5] =	sst s8  }
0x11: {  	[smem:$0x3FB6] =	sst s9;
	s0 =	simm.s32 @!p0 $0x0  }
0x12: {  	s1 =	sld [smem:$0x3F9C];
	s0 =	simm.s32 @p0 $0x1  }
0x13: {  	[smem:$0x3FB7] =	sst s0;
	s0 =	simm.s32 @!p1 $0x0  }
0x14: {  	s2 =	sld [smem:$0x3F9B];
	s0 =	simm.s32 @p1 $0x1  }
0x15: {  	[smem:$0x3FB8] =	sst s0;
	s0 =	simm.s32 @!p2 $0x0  }
0x16: {  	s3 =	sld [smem:$0x3FDB];
	s0 =	simm.s32 @p2 $0x1  }
0x17: {  	s4 =	simm.s32 $0x1BF5;
	[smem:$0x3FBA] =	sst s0  }
0x18: {  	s0 =	sld [smem:$0x3F9D];
	_ =	swait.ge [sflag:s4], $0x0  }
0x19: {  	s7 =	sld [smem:$0x3F9E]  }
0x1a: {  	s8 =	sadd.s32 $0xFFFFE003, lr  }
0x1b: {  	s9 =	sadd.s32 $0xFFFFFEF7, lr;
	s5 =	simm.s32 $0xFFFFFFFF;
	p2 =	slt.u32 s8, $0xFFFFF086  }
0x1c: {  	p1 =	slt.u32 s9, $0xF7A;
	s5 =	simm.s32 @!p2 $0x0  }
0x1d: {  	s5 =	simm.s32 @p1 $0x1;
	p0 =	seq.s32 s7, s2  }
0x1e: {  	s7 =	smul.u32 @!p0 $0xF7A, s2;
	p2 =	seq.s32 @!p0 s5, $0x0  }
0x1f: {  	s9 =	smul.u32 $0xF7A, s1;
	s8 =	simm.s32 @!p0 $0x1BF5;
	p2 =	por !p2, p0  }
0x20: {  	[sflag:s8] =	ssyncset.s32 @!p0 $0xFFFFF086;
	s6 =	sadd.s32 @!p0 s3, s7;
	s7 =	simm.s32 @!p0 $0x108  }
0x21: {  	s3 =	sadd.s32 s3, s9;
	s6 =	sadd.s32 @!p0 $0x88, s6;
	s7 =	simm.s32 @p2 $0x1082  }
0x22: {  	[simem:s7], [sflag:s8] =	dma.local @!p0 [hbm:s6], $0xF7A  }
0x23: {  	s9 =	sor.u32 $0xD0000000, s2;
	s6 =	simm.s32 $0x108;
	_ =	swait.ge @!p0 [sflag:s8], $0x0  }
0x24: {  	s3 =	sadd.s32 $0x88, s3;
	s6 =	simm.s32 @!p1 $0x1082;
	[sflag:s4] =	ssyncset.s32 $0xFFFFF086  }
0x25: {  	[simem:s6], [sflag:s4] =	dma.local [hbm:s3], $0xF7A  }
0x26: {  	[smem:$0x3F9E] =	sst s1;
	(tag) =	ssettag s2;
	_ =	strace s9  }
0x27: {  	s1 =	sld [smem:$0x3FAE]  }
0x28: {  	s2 =	sld [smem:$0x3FAF]  }
0x29: {  	s4 =	sld [smem:$0x3FB1]  }
0x2a: {  	p0 =	seq.s32 s5, $0x0;
	s5 =	sld [smem:$0x3FB2]  }
0x2b: {  	s6 =	sld [smem:$0x3FB3]  }
0x2c: {  	s7 =	sld [smem:$0x3FB4]  }
0x2d: {  	s3 =	simm.s32 $0x108;
	s8 =	sld [smem:$0x3FB5]  }
0x2e: {  	s3 =	simm.s32 @!p0 $0x1082;
	s9 =	sld [smem:$0x3FB6]  }
0x2f: {  	lr =	sadd.s32 s0, s3;
	s0 =	sld [smem:$0x3FAD]  }
0x30: {  	s3 =	sld [smem:$0x3FB0]  }
0x31: {  	[smem:$0x3FB9] =	sst s10  }
0x32: {  	s10 =	sld [smem:$0x3FB7];
	_ =	sdelay $0x3  }
0x33: {  	p0 =	seq.s32 s10, $0x1;
	s10 =	sld [smem:$0x3FB9];
	_ =	sdelay $0x3  }
0x34: {  	[smem:$0x3FB9] =	sst s10  }
0x35: {  	s10 =	sld [smem:$0x3FB8];
	_ =	sdelay $0x3  }
0x36: {  	p1 =	seq.s32 s10, $0x1;
	s10 =	sld [smem:$0x3FB9];
	_ =	sdelay $0x3  }
0x37: {  	[smem:$0x3FB9] =	sst s10  }
0x38: {  	s10 =	sld [smem:$0x3FBA]  }
0x39: {  	_ = 	snop;
	(pc) =	sbr.ind lr, $3  }
0x3a: {  	_ = 	snop  }
0x3b: {  	_ = 	snop  }
0x3c: {  	p2 =	seq.s32 s10, $0x1;
	s10 =	sld [smem:$0x3FB9]  }
0x3d: {  	_ =	shalt  }
0x3e: {  	_ =	shalt  }
0x3f: {  	_ =	shalt  }
0x40: {  	_ =	shalt  }
0x41: {  	_ =	shalt  }
0x42: {  	_ =	shalt  }
0x43: {  	_ =	shalt  }
0x44: {  	_ =	shalt  }
0x45: {  	_ =	shalt  }
0x46: {  	_ =	shalt  }
0x47: {  	_ =	shalt  }
0x48: {  	_ =	shalt  }
0x49: {  	_ =	shalt  }
0x4a: {  	_ =	shalt  }
0x4b: {  	_ =	shalt  }
0x4c: {  	_ =	shalt  }
0x4d: {  	_ =	shalt  }
0x4e: {  	_ =	shalt  }
0x4f: {  	_ =	shalt  }
0x50: {  	_ =	shalt  }
0x51: {  	_ =	shalt  }
0x52: {  	_ =	shalt  }
0x53: {  	_ =	shalt  }
0x54: {  	_ =	shalt  }
0x55: {  	_ =	shalt  }
0x56: {  	_ =	shalt  }
0x57: {  	_ =	shalt  }
0x58: {  	_ =	shalt  }
0x59: {  	_ =	shalt  }
0x5a: {  	_ =	shalt  }
0x5b: {  	_ =	shalt  }
0x5c: {  	_ =	shalt  }
0x5d: {  	_ =	shalt  }
0x5e: {  	_ =	shalt  }
0x5f: {  	_ =	shalt  }
0x60: {  	_ =	shalt  }
0x61: {  	_ =	shalt  }
0x62: {  	_ =	shalt  }
0x63: {  	_ =	shalt  }
0x64: {  	_ =	shalt  }
0x65: {  	_ =	shalt  }
0x66: {  	_ =	shalt  }
0x67: {  	_ =	shalt  }
0x68: {  	_ =	shalt  }
0x69: {  	_ =	shalt  }
0x6a: {  	_ =	shalt  }
0x6b: {  	_ =	shalt  }
0x6c: {  	_ =	shalt  }
0x6d: {  	_ =	shalt  }
0x6e: {  	_ =	shalt  }
0x6f: {  	_ =	shalt  }
0x70: {  	_ =	shalt  }
0x71: {  	_ =	shalt  }
0x72: {  	_ =	shalt  }
0x73: {  	_ =	shalt  }
0x74: {  	_ =	shalt  }
0x75: {  	_ =	shalt  }
0x76: {  	_ =	shalt  }
0x77: {  	_ =	shalt  }
0x78: {  	_ =	shalt  }
0x79: {  	_ =	shalt  }
0x7a: {  	_ =	shalt  }
0x7b: {  	_ =	shalt  }
0x7c: {  	_ =	shalt  }
0x7d: {  	_ =	shalt  }
0x7e: {  	_ =	shalt  }
0x7f: {  	_ =	shalt  }
0x80: {  	_ =	shalt  }
0x81: {  	_ =	shalt  }
0x82: {  	_ =	shalt  }
0x83: {  	_ =	shalt  }
0x84: {  	_ =	shalt  }
0x85: {  	_ =	shalt  }
0x86: {  	_ =	shalt  }
0x87: {  	_ =	shalt  }
.Lfunc_end0:
.L_simem_size_0:
called_computation_lowered:
.L_overlay_start_0:
0x88: {  	s2 =	sld [smem:$0x3FD9]  }
0x89: {  	s3 =	sld [smem:$0x3FFE];
	_ =	sdelay $0x1  }
0x8a: {  	s1 =	srdreg.scid  }
0x8b: {  	s0 =	sand.u32 $0x1, s1  }
0x8c: {  	s17 =	sshll.u32 s0, $0xA;
	s2 =	sadd.s32 s3, s2  }
0x8d: {  	s2 =	sadd.s32 s2, s17  }
0x8e: {  	[smem:$0x3FC5] =	sst s2  }
0x8f: {  	_ = 	snop  }
0x90: {  	s2 =	sld [smem:$0x3FC9]  }
0x91: {  	s18 =	sld [smem:$0x3FC8]  }
0x92: {  	s4 =	sld [smem:$0x3FC7];
	(tm) =	ssettm $0x1  }
0x93: {  	s5 =	sld [smem:$0x3FFB];
	_ =	sdelay $0x3  }
0x94: {  	_ =	strace s5  }
0x95: {  	s5 =	sld [smem:$0x3FFC];
	_ =	sdelay $0x3  }
0x96: {  	_ =	strace s5  }
0x97: {  	s5 =	sld [smem:$0x3FFD];
	_ =	sdelay $0x3  }
0x98: {  	_ =	strace s5  }
0x99: {  	_ =	strace $0x8FFFFFFF  }
0x9a: {  	s19 =	sld [smem:$0x3FDB];
	_ =	sdelay $0x1  }
0x9b: {  	s6 =	simm.s32 $_scs_section_size  }
0x9c: {  	s7 =	simm.s32 $_size__tile_overlayer_lowered;
	s8 =	simm.s32 $_tile_overlayer_lowered  }
0x9d: {  	s22 =	simm.s32 $0x1BFF;
	s21 =	sshll.u32 s8, $0x1;
	s5 =	sadd.s32 s6, s19  }
0x9e: {  	s9 =	simm.s32 $0x0;
	s20 =	sshll.u32 s7, $0x1;
	s7 =	sadd.s32 s21, s5  }
0x9f: {  	[timem:s9], [sflag:s22] =	dma.local [hbm:s7], s20  }
0xa0: {  	_ =	swait.ge [sflag:s22], s20  }
0xa1: {  	s6 =	ssub.s32 $0x0, s20;
	[sflag:s22] =	ssyncset.done $0x0  }
0xa2: {  	[sflag:s22] =	ssyncadd.s32 s6;
	_ =	sdelay $0x1  }
0xa3: {  	s23 =	simm.s32 $0x1B8B  }
0xa4: {  	_ =	swait.ge [sflag:s23], $0x1  }
0xa5: {  	[sflag:s23] =	ssyncset.done $0x0  }
0xa6: {  	s25 =	simm.s32 $0x1B8E;
	s24 =	sld [smem:$0x3FFE];
	[sflag:s23] =	ssyncadd.s32 $0xFFFFFFFF  }
0xa7: {  	s26 =	simm.s32 $execute0_lowered;
	[smem:$0x3FD2] =	sst s25  }
0xa8: {  	s7 =	sshll.u32 s26, $0x1;
	_ =	strace $0x80000046;
	[dreg:$0x1] =	wrdreg $0xFFFFFFFF  }
0xa9: {  	s28 =	simm.s32 $_size_execute0_lowered;
	s5 =	sadd.s32 s5, s7;
	[dreg:$0x0] =	wrdreg $0x0  }
0xaa: {  	s7 =	sshll.u32 s28, $0x1;
	[dreg:$0x2] =	wrdreg s5  }
0xab: {  	[dreg:$0x3] =	wrdreg s7  }
0xac: {  	[dreg:$0x4] =	wrdreg $0xC0  }
0xad: {  	_ =	task [dreg:s9], $0x5FFFF  }
0xae: {  	[dreg:$0x1] =	wrdreg $0xFFFFFFFF  }
0xaf: {  	[dreg:$0x0] =	wrdreg $0x60  }
0xb0: {  	[dreg:$0x2] =	wrdreg s2  }
0xb1: {  	[dreg:$0x3] =	wrdreg s18  }
0xb2: {  	[dreg:$0x4] =	wrdreg s4  }
0xb3: {  	[dreg:$0x5] =	wrdreg s24  }
0xb4: {  	[dreg:$0x6] =	wrdreg $0x1E7800  }
0xb5: {  	[dreg:$0x7] =	wrdreg $0x9  }
0xb6: {  	_ =	task.clear_ibuf [dreg:s9], $0x8FFFF;
	_ =	strace $0x90000046  }
0xb7: {  	s29 =	simm.s32 $0x9;
	_ =	strace $0x80000048  }
0xb8: {  	_ =	swait.ge [sflag:s29], $0x1  }
0xb9: {  	[sflag:s29] =	ssyncadd.s32 $0xFFFFFFFF  }
0xba: {  	_ =	strace $0x90000048  }
0xbb: {  	_ =	sfence  }
0xbc: {  	s30 =	sld [smem:$0x0];
	_ =	sdelay $0x2  }
0xbd: {  	s31 =	sshll.u32 s1, $0xD;
	s1 =	sshrl.u32 s1, $0x2  }
0xbe: {  	s3 =	sand.u32 $0x4000, s31;
	s1 =	sadd.s32 s1, s30  }
0xbf: {  	s0 =	sor.u32 s3, s0;
	s1 =	sshll.u32 s1, $0x11  }
0xc0: {  	s0 =	sor.u32 s1, s0  }
0xc1: {  	s0 =	sadd.s32 $0x8F2B, s0  }
0xc2: {  	[sflag:s0] =	ssyncadd.remote.s32 $0x1  }
0xc3: {  	_ =	sfence.sel $0xFFFF  }
0xc4: {  	[dreg:$0x0] =	wrdreg $0xFFFFFFFF;
	(pc) =	sbr.abs _section_cstart, $3  }
0xc5: {  	[dreg:$0x1] =	wrdreg $0xFFFFFFFF  }
0xc6: {  	_ =	task.clear_ibuf [dreg:s9], $0x2FFFF;
	_ =	strace $0x9FFFFFFF  }
0xc7: {  	(tm) =	ssettm $0x7FFFFFFF  }
tec
execute0_lowered:
.L_overlay_start_1:
0x0: {  	(tag) =	ssettag $0x1  }
0x1: {  	s1 =	rddreg [dreg:$0x0]  }
0x2: {  	s2 =	rddreg [dreg:$0x1]  }
0x3: {  	s3 =	rddreg [dreg:$0x2]  }
0x4: {  	s0 =	rddreg [dreg:$0x3]  }
0x5: {  	s4 =	rddreg [dreg:$0x4];
	s5 =	simm.s32 $0x0  }
0x6: {  	s6 =	srdreg.scid;
	s14 =	stileid.u32;
	s17 =	simm.s32 $0x18700  }
0x7: {  	s18 =	simm.s32 $0x3;
	s19 =	simm.s32 $0x1;
	s20 =	simm.s32 $0x2  }
0x8: {  	s21 =	simm.s32 $0x1E700;
	s22 =	simm.s32 $0x0;
	[smem:$0x7FF] =	sst s5  }
0x9: {  	s6 =	sand.u32 $0x1, s6;
	s7 =	sshll.u32 s14, $0x1;
	s9 =	sshrl.u32 s14, $0x1  }
0xa: {  	s30 =	sshll.u32 s14, $0xD;
	p0 =	sne.s32 s14, $0x0;
	s14 =	simm.s32 $0x80  }
0xb: {  	_ =	strace $0x80000047;
	s8 =	ssub.s32 $0x2, s6;
	s12 =	sor.u32 s6, s7  }
0xc: {  	s6 =	smul.u32 $0xC3800, s9;
	s15 =	sand.u32 $0x1C000, s30;
	s16 =	sshrl.u32 @!p0 s4, $0x3  }
0xd: {  	s29 =	sshrl.u32 s8, $0x1;
	s10 =	sshll.u32 s12, $0x8;
	s7 =	sshll.u32 s12, $0x1  }
0xe: {  	s31 =	sadd.s32 s15, s1;
	s12 =	sshll.u32 s12, $0x4;
	s15 =	simm.s32 $0x400  }
0xf: {  	s13 =	ssub.s32 s8, s29;
	s10 =	sand.u32 $0x300, s10;
	s8 =	sshll.u32 s9, $0x11  }
0x10: {  	s12 =	sadd.s32 s0, s12;
	s11 =	sor.u32 s6, s10;
	s10 =	sor.u32 s8, s10  }
0x11: {  	s13 =	smax.u32 s13, $0x1;
	s11 =	sshrl.u32 s11, $0x3;
	s10 =	sshrl.u32 s10, $0x3  }
0x12: {  	s9 =	sadd.s32 s3, s11;
	s10 =	sadd.s32 s1, s10;
	s11 =	sadd.s32 $0x1000, s31  }
.LBB2_1:
0x13: {  	[tilespmem:s5], [sflag:$0x1] =	stream.strided.gather [hbm4b:s9+s14], $0x18700, s15, s14, $0x38;
	[tilespmem:$0x1EB80] =	vst v63  }
0x14: {  	s23 =	simm.s32 $0x1C700  }
0x15: {  	s24 =	simm.s32 $0x80;
	s26 =	sadd.s32 $0x0, s10;
	s25 =	simm.s32 $0x1C800  }
.LBB2_2:
0x16: {  	[tilespmem:s23], [sflag:$0x2] =	stream.linear.gather [hbm4b:s26+s5], $0x80, $0x38;
	[tilespmem:$0x1EB80] =	vst v63  }
0x17: {  	s0 =	smov.u32 s24;
	s23 =	smov.u32 s25;
	p1 =	sne.s32 s24, $0xF80  }
.Ltmp0:
0x18: {  	s24 =	sadd.s32 $0x80, s24;
	(pc) =	sbr.rel @p1 .LBB2_2-.Ltmp0, $2  }
0x19: {  	_ =	sdelay $0x2  }
0x1a: {  	s25 =	sadd.s32 $0x100, s25;
	s26 =	sadd.s32 s0, s10  }
0x1b: {  	[tilespmem:s23], [sflag:$0x2] =	stream.linear.gather [hbm4b:s26+s5], $0x80, $0x38;
	[tilespmem:$0x1EB80] =	vst v63  }
0x1c: {  	s0 =	simm.s32 @!p0 $0x1C03  }
0x1d: {  	[spmem:s16], [sflag:s0] =	dma.local @!p0 [hbm:s2], $0x800  }
0x1e: {  	s0 =	simm.s32 @!p0 $0x3  }
0x1f: {  	_ =	swait.ge @!p0 [sflag:s0], $0x800  }
0x20: {  	[sflag:s0] =	ssyncset.done @!p0 $0x0  }
0x21: {  	[sflag:s0] =	ssyncadd.s32 @!p0 $0xFFFFF800  }
0x22: {  	[bflag:$0x0] =	sbarrier.arrive $0xFFFF  }
0x23: {  	[tilespmem:s17], [sflag:$0x3] =	stream.linear.gather [spmem:s4], $0x4000, $0x38;
	[tilespmem:$0x1EB80] =	vst v63  }
0x24: {  	v0 =	vimm.f32 $0.0e+00;
	v1 =	vimm.f32 $0.0e+00;
	_ =	swait.ge [sflag:s18], $0x4000  }
0x25: {  	v2 =	vimm.f32 $0.0e+00;
	v3 =	vimm.f32 $0.0e+00;
	v4 =	vimm.f32 $0.0e+00;
	s23 =	simm.s32 $0x0;
	[sflag:s18] =	ssyncset.done $0x0  }
0x26: {  	p3 =	por $0x1, $0x1;
	p2 =	por $0x0, $0x0;
	v5 =	vimm.f32 $0.0e+00;
	v6 =	vimm.f32 $0.0e+00;
	v7 =	vimm.f32 $0.0e+00;
	[sflag:s18] =	ssyncadd.s32 $0xFFFFC000  }
.LBB2_4:
.Ltmp1:
0x27: {  	(pc) =	sbr.rel @!p2 .LBB2_8-.Ltmp1, $2  }
0x28: {  	_ =	sdelay $0x2  }
0x29: {  	p1 =	por p3, p3;
	s23 =	sor.u32 s7, s23  }
0x2a: {  	s0 =	sshll.u32 s23, $0x7  }
0x2b: {  	s24 =	sand.u32 $0x380, s0  }
0x2c: {  	s0 =	sor.u32 s8, s24  }
0x2d: {  	s0 =	sshrl.u32 s0, $0x3  }
0x2e: {  	s26 =	simm.s32 $0x1C700;
	s25 =	sadd.s32 s1, s0  }
0x2f: {  	s28 =	simm.s32 $0x80;
	s29 =	simm.s32 $0x1C800;
	s30 =	sadd.s32 $0x0, s25  }
.LBB2_6:
0x30: {  	[tilespmem:s26], [sflag:$0x2] =	stream.linear.gather [hbm4b:s30+s5], $0x80, $0x38;
	[tilespmem:$0x1EB80] =	vst v63  }
0x31: {  	s0 =	smov.u32 s28;
	s26 =	smov.u32 s29;
	p2 =	sne.s32 s28, $0xF80  }
.Ltmp2:
0x32: {  	s28 =	sadd.s32 $0x80, s28;
	(pc) =	sbr.rel @p2 .LBB2_6-.Ltmp2, $2  }
0x33: {  	_ =	sdelay $0x2  }
0x34: {  	s29 =	sadd.s32 $0x100, s29;
	s30 =	sadd.s32 s0, s25  }
0x35: {  	[tilespmem:s26], [sflag:$0x2] =	stream.linear.gather [hbm4b:s30+s5], $0x80, $0x38;
	[tilespmem:$0x1EB80] =	vst v63  }
0x36: {  	s0 =	sor.u32 s6, s24  }
0x37: {  	s0 =	sshrl.u32 s0, $0x3  }
0x38: {  	s0 =	sadd.s32 s3, s0  }
0x39: {  	[tilespmem:s5], [sflag:$0x1] =	stream.strided.gather [hbm4b:s0+s14], $0x18700, s15, s14, $0x38;
	[tilespmem:$0x1EB80] =	vst v63  }
.LBB2_8:
0x3a: {  	_ =	swait.ge [sflag:s19], $0x18700;
	s0 =	sshll.u32 s23, $0x4  }
0x3b: {  	s24 =	simm.s32 $0x0;
	[sflag:s19] =	ssyncset.done $0x0;
	s0 =	sand.u32 $0x70, s0  }
0x3c: {  	s25 =	simm.s32 $0x18740;
	[sflag:s19] =	ssyncadd.s32 $0xFFFE7900;
	s23 =	sadd.s32 s0, s11  }
.LBB2_9:
0x3d: {  	p2 =	seq.s32 s24, $0x3  }
.Ltmp3:
0x3e: {  	_ = 	snop;
	(pc) =	sbr.rel @p2 .LBB2_13-.Ltmp3, $2  }
0x3f: {  	_ =	sdelay $0x2  }
0x40: {  	s26 =	simm.s32 $0x80  }
0x41: {  	s0 =	sshll.u32 s24, $0x7  }
0x42: {  	s26 =	sand.u32 $0x80, s0  }
0x43: {  	s29 =	sshll.u32 s24, $0xC;
	s0 =	sxor.u32 $0x80, s26  }
0x44: {  	s29 =	sadd.s32 s29, s23;
	s28 =	sor.u32 $0x1C700, s0  }
0x45: {  	s30 =	simm.s32 $0x80;
	s0 =	sadd.s32 $0x0, s29;
	s31 =	sadd.s32 $0x100, s28  }
.LBB2_11:
0x46: {  	[tilespmem:s28], [sflag:$0x2] =	stream.linear.gather [hbm4b:s0+s5], $0x80, $0x38;
	[tilespmem:$0x1EB80] =	vst v63  }
0x47: {  	s0 =	smov.u32 s30;
	s28 =	smov.u32 s31;
	p2 =	sne.s32 s30, $0xF80  }
.Ltmp4:
0x48: {  	s30 =	sadd.s32 $0x80, s30;
	(pc) =	sbr.rel @p2 .LBB2_11-.Ltmp4, $2  }
0x49: {  	_ =	sdelay $0x2  }
0x4a: {  	s31 =	sadd.s32 $0x100, s31;
	s0 =	sadd.s32 s0, s29  }
0x4b: {  	[tilespmem:s28], [sflag:$0x2] =	stream.linear.gather [hbm4b:s0+s5], $0x80, $0x38;
	[tilespmem:$0x1EB80] =	vst v63  }
.LBB2_13:
0x4c: {  	_ =	swait.ge [sflag:s20], $0x1000  }
0x4d: {  	[sflag:s20] =	ssyncset.done $0x0  }
0x4e: {  	[sflag:s20] =	ssyncadd.s32 $0xFFFFF000  }
0x4f: {  	v8 =	vld [tilespmem:s25+$0x30]  }
0x50: {  	v9 =	vld [tilespmem:s25+$0xFFFFFFD0]  }
0x51: {  	v10 =	vld [tilespmem:s25+$0xFFFFFFE0]  }
0x52: {  	v11 =	vld [tilespmem:s25+$0xFFFFFFF0]  }
0x53: {  	v13 =	vld [tilespmem:s25+$0x0]  }
0x54: {  	v14 =	vld [tilespmem:s25+$0x10]  }
0x55: {  	v15 =	vld [tilespmem:s25+$0x20]  }
0x56: {  	s26 =	sadd.s32 $0x1C740, s26;
	v16 =	vld [tilespmem:s25+$0xFFFFFFC0]  }
0x57: {  	v18 =	vld [tilespmem:s26+$0x30]  }
0x58: {  	v19 =	vld [tilespmem:s26+$0xFFFFFFC0]  }
0x59: {  	v17 =	vld.idx.msk [tilespmem:v8+s5+$0x0], $0xffff  }
0x5a: {  	v20 =	vld.idx.msk [tilespmem:v9+s5+$0x0], $0xffff  }
0x5b: {  	v12 =	vld.idx.msk [tilespmem:v10+s5+$0x0], $0xffff  }
0x5c: {  	v11 =	vld.idx.msk [tilespmem:v11+s5+$0x0], $0xffff  }
0x5d: {  	v10 =	vld.idx.msk [tilespmem:v13+s5+$0x0], $0xffff  }
0x5e: {  	v8 =	vld.idx.msk [tilespmem:v14+s5+$0x0], $0xffff  }
0x5f: {  	v14 =	vld.idx.msk [tilespmem:v16+s5+$0x0], $0xffff  }
0x60: {  	v9 =	vld.idx.msk [tilespmem:v15+s5+$0x0], $0xffff  }
0x61: {  	v13 =	vsub.f32 v18, v17;
	v18 =	vld [tilespmem:s26+$0xFFFFFFD0]  }
0x62: {  	v17 =	vld [tilespmem:s26+$0xFFFFFFE0]  }
0x63: {  	v16 =	vld [tilespmem:s26+$0xFFFFFFF0];
	v13 =	vmul.f32 v13, v13  }
0x64: {  	v15 =	vld [tilespmem:s26+$0x0]  }
0x65: {  	v19 =	vsub.f32 v19, v14;
	v0 =	vadd.f32 v13, v0;
	v13 =	vld [tilespmem:s26+$0x10]  }
0x66: {  	s28 =	simm.s32 $0x0;
	s29 =	sadd.s32 $0x80, s25;
	v14 =	vld [tilespmem:s26+$0x20];
	v18 =	vsub.f32 v18, v20  }
.LBB2_14:
0x67: {  	v20 =	vld [tilespmem:s29+$0x30];
	s28 =	sadd.s32 $0x80, s28;
	v19 =	vmul.f32 v19, v19;
	v12 =	vsub.f32 v17, v12  }
0x68: {  	v17 =	vld [tilespmem:s29+$0xFFFFFFD0];
	p2 =	slt.u32 s28, $0xF80;
	v18 =	vmul.f32 v18, v18;
	v11 =	vsub.f32 v16, v11  }
0x69: {  	v16 =	vld [tilespmem:s29+$0xFFFFFFE0];
	v7 =	vadd.f32 v19, v7;
	v12 =	vmul.f32 v12, v12;
	v10 =	vsub.f32 v15, v10  }
0x6a: {  	v15 =	vld [tilespmem:s29+$0xFFFFFFF0];
	v6 =	vadd.f32 v18, v6;
	v11 =	vmul.f32 v11, v11;
	v8 =	vsub.f32 v13, v8  }
0x6b: {  	v13 =	vld [tilespmem:s29+$0x0];
	v5 =	vadd.f32 v12, v5;
	v10 =	vmul.f32 v10, v10;
	v9 =	vsub.f32 v14, v9  }
0x6c: {  	v14 =	vld [tilespmem:s29+$0x10];
	v4 =	vadd.f32 v11, v4;
	v8 =	vmul.f32 v8, v8  }
0x6d: {  	v18 =	vld [tilespmem:s29+$0x20];
	v3 =	vadd.f32 v10, v3;
	v9 =	vmul.f32 v9, v9  }
0x6e: {  	v19 =	vld [tilespmem:s29+$0xFFFFFFC0];
	v2 =	vadd.f32 v8, v2  }
0x6f: {  	s26 =	sadd.s32 $0x100, s26;
	v20 =	vld.idx.msk [tilespmem:v20+s5+$0x0], $0xffff;
	v1 =	vadd.f32 v9, v1  }
0x70: {  	v9 =	vld [tilespmem:s26+$0x30]  }
0x71: {  	v21 =	vld.idx.msk [tilespmem:v17+s5+$0x0], $0xffff  }
0x72: {  	v12 =	vld.idx.msk [tilespmem:v16+s5+$0x0], $0xffff  }
0x73: {  	v11 =	vld.idx.msk [tilespmem:v15+s5+$0x0], $0xffff  }
0x74: {  	v10 =	vld.idx.msk [tilespmem:v13+s5+$0x0], $0xffff  }
0x75: {  	v8 =	vld.idx.msk [tilespmem:v14+s5+$0x0], $0xffff;
	v13 =	vsub.f32 v9, v20  }
0x76: {  	v14 =	vld.idx.msk [tilespmem:v19+s5+$0x0], $0xffff  }
0x77: {  	v9 =	vld.idx.msk [tilespmem:v18+s5+$0x0], $0xffff;
	v13 =	vmul.f32 v13, v13  }
0x78: {  	v18 =	vld [tilespmem:s26+$0xFFFFFFC0]  }
0x79: {  	v20 =	vld [tilespmem:s26+$0xFFFFFFD0];
	v0 =	vadd.f32 v13, v0  }
.Ltmp5:
0x7a: {  	v17 =	vld [tilespmem:s26+$0xFFFFFFE0];
	(pc) =	sbr.rel @p2 .LBB2_14-.Ltmp5, $4  }
0x7b: {  	v16 =	vld [tilespmem:s26+$0xFFFFFFF0]  }
0x7c: {  	v15 =	vld [tilespmem:s26+$0x0]  }
0x7d: {  	v19 =	vsub.f32 v18, v14;
	v13 =	vld [tilespmem:s26+$0x10]  }
0x7e: {  	s29 =	sadd.s32 $0x80, s29;
	v18 =	vsub.f32 v20, v21;
	v14 =	vld [tilespmem:s26+$0x20]  }
0x7f: {  	_ = 	snop  }
0x80: {  	v19 =	vmul.f32 v19, v19  }
0x81: {  	v12 =	vsub.f32 v17, v12;
	s24 =	sadd.s32 $0x1, s24;
	v11 =	vsub.f32 v16, v11  }
0x82: {  	v63 =	vmul.f32 v18, v18;
	p2 =	sne.s32 s24, $0x4;
	v7 =	vadd.f32 v19, v7;
	v10 =	vsub.f32 v15, v10  }
.Ltmp6:
0x83: {  	v12 =	vmul.f32 v12, v12;
	v8 =	vsub.f32 v13, v8;
	v9 =	vsub.f32 v14, v9;
	(pc) =	sbr.rel @p2 .LBB2_9-.Ltmp6, $4  }
0x84: {  	v6 =	vadd.f32 v63, v6;
	v11 =	vmul.f32 v11, v11;
	v10 =	vmul.f32 v10, v10  }
0x85: {  	v5 =	vadd.f32 v12, v5;
	v8 =	vmul.f32 v8, v8;
	v9 =	vmul.f32 v9, v9  }
0x86: {  	v4 =	vadd.f32 v11, v4;
	v3 =	vadd.f32 v10, v3  }
0x87: {  	s25 =	sadd.s32 $0x1000, s25;
	v2 =	vadd.f32 v8, v2;
	v1 =	vadd.f32 v9, v1  }
.Ltmp7:
0x88: {  	(pc) =	sbr.rel @p1 .LBB2_4-.Ltmp7, $2  }
0x89: {  	_ =	sdelay $0x2  }
0x8a: {  	s23 =	simm.s32 $0x1;
	p3 =	por $0x0, $0x0;
	p2 =	por $0x1, $0x1  }
0x8b: {  	v6 =	vadd.f32 v6, v7;
	v4 =	vadd.f32 v4, v5;
	_ =	sdelay $0x1  }
0x8c: {  	v2 =	vadd.f32 v2, v3;
	v4 =	vadd.f32 v4, v6;
	_ =	sdelay $0x1  }
0x8d: {  	v0 =	vadd.f32 v0, v1;
	v2 =	vadd.f32 v2, v4;
	_ =	sdelay $0x1  }
0x8e: {  	v0 =	vadd.f32 v0, v2;
	_ =	sdelay $0x1  }
0x8f: {  	s22 =	sadd.s32 $0x1, s22;
	v0 =	vmul.f32 $3.051757810e-05, v0  }
0x90: {  	p1 =	sne.s32 s22, s13  }
.Ltmp8:
0x91: {  	[tilespmem:$0x1E700] =	vst v0;
	(pc) =	sbr.rel @p1 .LBB2_1-.Ltmp8, $4  }
0x92: {  	[hbm4b:s12+s5] =	stream.linear.scatter [tilespmem:s21], [sflag:$0x3], $0x80, $0x38;
	[tilespmem:$0x1EB80] =	vst v63  }
0x93: {  	_ =	swait.ge [sflag:s18], $0x80  }
0x94: {  	[sflag:s18] =	ssyncset.done $0x0  }
0x95: {  	[sflag:s18] =	ssyncadd.s32 $0xFFFFFF80  }
0x96: {  	_ =	sfence.sel $0x180000  }
0x97: {  	[bflag:$0x0] =	sbarrier.arrive $0xFFFF  }
0x98: {  	_ =	strace $0x90000047  }
0x99: {  	[bflag:$0x2] =	sbarrier.arrive $0xFFFF  }
0x9a: {  	s0 =	rddreg [dreg:$0x5]  }
0x9b: {  	s0 =	sadd.s32 @!p0 $0x100000, s0  }
0x9c: {  	[sflag:s0] =	ssyncadd.tile.s32 @!p0 $0x1;
	_ =	shalt  }
.Lfunc_end2:
_tile_overlayer_lowered:
.L_overlay_start_2:
0x9d: {  	(tag) =	ssettag $0x2  }
0x9e: {  	s0 =	rddreg [dreg:$0x0];
	s2 =	stileid.u32  }
0x9f: {  	s1 =	rddreg [dreg:$0x1];
	p0 =	sne.s32 s2, $0x0  }
0xa0: {  	s3 =	rddreg [dreg:$0x2];
	[bflag:$0x3] =	sbarrier.arrive $0xFFFF;
	s2 =	simm.s32 @!p0 $0x1C03  }
0xa1: {  	[timem:s3], [sflag:s2] =	dma.local @!p0 [hbm:s0], s1  }
0xa2: {  	s0 =	simm.s32 @!p0 $0x3  }
0xa3: {  	_ =	swait.ge @!p0 [sflag:s0], s1  }
0xa4: {  	s1 =	ssub.s32 @!p0 $0x0, s1;
	[sflag:s0] =	ssyncset.done @!p0 $0x0  }
0xa5: {  	[sflag:s0] =	ssyncadd.s32 @!p0 s1  }
0xa6: {  	[bflag:$0x3] =	sbarrier.arrive $0xFFFF  }
0xa7: {  	_ =	shalt  }

</sc_bundles>
